<compile_context>
chip_gen: v7x
topology: tpu7x:2x2x1
jax: 0.10.2.dev20260603
libtpu: 0.0.44.dev20260713+nightly
codegen_flags: <defaults>
</compile_context>

<pallas_src>
import functools

import jax
import jax.numpy as jnp
from jax import lax
from jax.experimental import pallas as pl
from jax.experimental.pallas import tpu as pltpu
from jax.experimental.pallas import tpu_sc as plsc

_B = 32
_D = 256
_H = 24
_W = 24
_HW = _H * _W
_BB = 4

_NC = 2
_NS = 16


@functools.partial(
    pl.kernel,
    mesh=plsc.VectorSubcoreMesh(core_axis_name="c", subcore_axis_name="s"),
    out_type=jax.ShapeDtypeStruct((_B, 2, _D), jnp.float32),
    scratch_types=[
        pltpu.VMEM((1,), jnp.int32),
        pltpu.VMEM((1, _D), jnp.float32),
        pltpu.SemaphoreType.DMA,
    ],
)
def _pose_kernel(p_hbm, pose_hbm, out_hbm, idx_v, row_v, sem):
    c = lax.axis_index("c")
    s = lax.axis_index("s")
    b = c * (_B // _NC) + s
    pltpu.sync_copy(p_hbm, idx_v)
    pltpu.async_copy(pose_hbm.at[idx_v], row_v, sem).wait()
    cp0 = pltpu.async_copy(row_v, out_hbm.at[b, pl.ds(0, 1)], sem)
    cp1 = pltpu.async_copy(row_v, out_hbm.at[b, pl.ds(1, 1)], sem)
    cp0.wait()
    cp1.wait()


def _m_kernel(row_ref, col_ref, m_ref, scratch_ref):
    @pl.when(pl.program_id(0) == 0)
    def _():
        r = jax.lax.broadcasted_iota(jnp.int32, (_D, _HW), 0)
        l = jax.lax.broadcasted_iota(jnp.int32, (_D, _HW), 1)
        sel_col = (r == l % _W + 1).astype(jnp.float32)
        sel_row = (r == l // _W + 1).astype(jnp.float32)
        dn = (((0,), (0,)), ((), ()))
        hp = jax.lax.Precision.HIGHEST
        scratch_ref[0:_D, :] = jax.lax.dot_general(
            col_ref[...], sel_col, dn, precision=hp,
            preferred_element_type=jnp.float32)
        scratch_ref[_D:2 * _D, :] = jax.lax.dot_general(
            row_ref[...], sel_row, dn, precision=hp,
            preferred_element_type=jnp.float32)

    m_ref[...] = jnp.broadcast_to(scratch_ref[...][None, :, :],
                                  (_BB, 2 * _D, _HW))


def kernel(x, row_W, col_W, pose_W, p):
    b, c, h, w = x.shape
    p_arr = jnp.asarray(p, dtype=jnp.int32).reshape((1,))
    m_flat = pl.pallas_call(
        _m_kernel,
        grid=(_B // _BB,),
        in_specs=[
            pl.BlockSpec((_D, _D), lambda i: (0, 0)),
            pl.BlockSpec((_D, _D), lambda i: (0, 0)),
        ],
        out_specs=pl.BlockSpec((_BB, 2 * _D, _HW), lambda i: (i, 0, 0)),
        out_shape=jax.ShapeDtypeStruct((_B, 2 * _D, _HW), jnp.float32),
        scratch_shapes=[pltpu.VMEM((2 * _D, _HW), jnp.float32)],
    )(row_W, col_W)
    p_emb2 = _pose_kernel(p_arr, pose_W)
    return (p_emb2.reshape(b, 2 * _D), m_flat.reshape(b, 2 * _D, h, w))

# --- scband reference (transcript-rebuilt; emitter-appended) ---
"""Pipeline reference for scband-position-embedding-learned-with-pose-token-25099788878149 (READ-ONLY COPY).

The authoritative reference and input builder live on the scoring server;
editing this copy changes nothing except your own understanding.
"""

import jax, jax.numpy as jnp
import numpy as np


def setup_inputs(seed: int = 0) -> dict:
    key = jax.random.key(seed)
    k1, k2, k3, k4 = jax.random.split(key, 4)
    x = jax.random.normal(k1, (32, 768, 24, 24), dtype=jnp.float32)
    row_W = jax.random.uniform(k2, (256, 256), dtype=jnp.float32)
    col_W = jax.random.uniform(k3, (256, 256), dtype=jnp.float32)
    pose_W = jax.random.uniform(k4, (256, 256), dtype=jnp.float32)
    p = jnp.array(0, dtype=jnp.int32)
    return {"x": x, "row_W": row_W, "col_W": col_W, "pose_W": pose_W, "p": p}


def reference(x, row_W, col_W, pose_W, p):
    b, c, h, w = x.shape
    i = jnp.arange(1, w + 1)
    j = jnp.arange(1, h + 1)
    # pose token embedding: gather row p, expand to (b, 2, d), flatten to (b, 2*d)
    p_vec = jnp.take(pose_W, p, axis=0)
    p_emb = jnp.broadcast_to(p_vec[None, None, :], (b, 2, pose_W.shape[1])).reshape(b, -1)
    # grid embeddings via gathers
    x_emb = jnp.take(col_W, i, axis=0)  # (w, d)
    y_emb = jnp.take(row_W, j, axis=0)  # (h, d)
    m = jnp.concatenate(
        (
            jnp.broadcast_to(x_emb[None, :, :], (h, w, x_emb.shape[1])),
            jnp.broadcast_to(y_emb[:, None, :], (h, w, y_emb.shape[1])),
        ),
        axis=-1,
    )  # (h, w, 2*d)
    m_emb = jnp.broadcast_to(jnp.transpose(m, (2, 0, 1))[None, ...], (b, m.shape[2], h, w))
    return (p_emb, m_emb)

if __name__ == "__main__":
    import jax
    _d = setup_inputs()
    print(jax.jit(kernel)(*tuple(_d.values())))

</pallas_src>

<mosaic_0001>
#map = affine_map<(d0, d1) -> (0)>
#map1 = affine_map<(d0, d1) -> (0, 0)>
#map2 = affine_map<(d0, d1) -> (0, 0, 0)>
module attributes {stable_mosaic.version = 14 : i64} {
  func.func @_pose_kernel(%arg0: i32, %arg1: i32, %arg2: memref<1xi32, #tpu.memory_space<hbm>>, %arg3: memref<256x256xf32, #tpu.memory_space<hbm>>, %arg4: memref<32x2x256xf32, #tpu.memory_space<hbm>>, %arg5: memref<1xi32, #tpu.memory_space<vmem>>, %arg6: memref<1x256xf32, #tpu.memory_space<vmem>>, %arg7: memref<!tpu.dma_semaphore, #tpu.memory_space<semaphore_mem>>) attributes {dimension_semantics = [#tpu.dimension_semantics<core_parallel>, #tpu.dimension_semantics<subcore_parallel>], iteration_bounds = array<i64: 2, 16>, scalar_prefetch = 0 : i64, scratch_operands = 3 : i64, tpu.core_type = #tpu.core_type<sc_vector_subcore>, window_params = [{transform_indices = #map}, {transform_indices = #map1}, {transform_indices = #map2}]} {
    %mul3A = arith.constant 16 : i32
    %mul3A_0 = arith.muli %arg0, %mul3A : i32
    %add3A = arith.addi %mul3A_0, %arg1 : i32
    "tpu.region"() ({
      %run_scoped3A = tpu.sem_alloc : memref<!tpu.dma_semaphore, #tpu.memory_space<semaphore_mem>>
      tpu.enqueue_dma source(%arg2 : memref<1xi32, #tpu.memory_space<hbm>>) target(%arg5 : memref<1xi32, #tpu.memory_space<vmem>>) target_semaphore(%run_scoped3A : memref<!tpu.dma_semaphore, #tpu.memory_space<semaphore_mem>>)
      tpu.wait_dma2 semaphore(%run_scoped3A : memref<!tpu.dma_semaphore, #tpu.memory_space<semaphore_mem>>) src(%arg2 : memref<1xi32, #tpu.memory_space<hbm>>) dst(%arg5 : memref<1xi32, #tpu.memory_space<vmem>>)
      tpu.yield
    }) : () -> ()
    %dma_start3A = arith.constant 0 : i32
    %dma_start3A_1 = arith.constant 0 : i32
    %dma_start3A_2 = tpu.memref_slice %arg3[%dma_start3A, %dma_start3A_1] : memref<256x256xf32, #tpu.memory_space<hbm>> -> memref<256x256xf32, #tpu.memory_space<hbm>>
    tpu.enqueue_indirect_dma source(%dma_start3A_2 : memref<256x256xf32, #tpu.memory_space<hbm>>) target(%arg6 : memref<1x256xf32, #tpu.memory_space<vmem>>) offsets(%arg5 : memref<1xi32, #tpu.memory_space<vmem>>) semaphore(%arg7 : memref<!tpu.dma_semaphore, #tpu.memory_space<semaphore_mem>>)
    %dma_wait3A = arith.constant 0 : i32
    %dma_wait3A_3 = arith.constant 0 : i32
    %dma_wait3A_4 = tpu.memref_slice %arg3[%dma_wait3A, %dma_wait3A_3] : memref<256x256xf32, #tpu.memory_space<hbm>> -> memref<256x256xf32, #tpu.memory_space<hbm>>
    tpu.wait_indirect_dma semaphore(%arg7 : memref<!tpu.dma_semaphore, #tpu.memory_space<semaphore_mem>>) src(%dma_wait3A_4 : memref<256x256xf32, #tpu.memory_space<hbm>>) dst(%arg6 : memref<1x256xf32, #tpu.memory_space<vmem>>)
    %dma_start3A_5 = arith.constant 0 : i32
    %dma_start3A_6 = arith.constant 0 : i32
    %dma_start3A_7 = tpu.memref_slice %arg4[%add3A, %dma_start3A_5, %dma_start3A_6] : memref<32x2x256xf32, #tpu.memory_space<hbm>> -> memref<1x1x256xf32, #tpu.memory_space<hbm>>
    %dma_start3A_8 = tpu.memref_squeeze %dma_start3A_7 : memref<1x1x256xf32, #tpu.memory_space<hbm>> -> memref<1x256xf32, #tpu.memory_space<hbm>>
    %dma_start3A_9 = arith.constant 0 : i32
    %dma_start3A_10 = arith.constant 0 : i32
    %dma_start3A_11 = tpu.memref_slice %arg4[%add3A, %dma_start3A_9, %dma_start3A_10] : memref<32x2x256xf32, #tpu.memory_space<hbm>> -> memref<1x1x256xf32, #tpu.memory_space<hbm>>
    %dma_start3A_12 = tpu.memref_squeeze %dma_start3A_11 : memref<1x1x256xf32, #tpu.memory_space<hbm>> -> memref<1x256xf32, #tpu.memory_space<hbm>>
    tpu.enqueue_dma source(%arg6 : memref<1x256xf32, #tpu.memory_space<vmem>>) target(%dma_start3A_12 : memref<1x256xf32, #tpu.memory_space<hbm>>) target_semaphore(%arg7 : memref<!tpu.dma_semaphore, #tpu.memory_space<semaphore_mem>>)
    %dma_start3A_13 = arith.constant 1 : i32
    %dma_start3A_14 = arith.constant 0 : i32
    %dma_start3A_15 = tpu.memref_slice %arg4[%add3A, %dma_start3A_13, %dma_start3A_14] : memref<32x2x256xf32, #tpu.memory_space<hbm>> -> memref<1x1x256xf32, #tpu.memory_space<hbm>>
    %dma_start3A_16 = tpu.memref_squeeze %dma_start3A_15 : memref<1x1x256xf32, #tpu.memory_space<hbm>> -> memref<1x256xf32, #tpu.memory_space<hbm>>
    %dma_start3A_17 = arith.constant 1 : i32
    %dma_start3A_18 = arith.constant 0 : i32
    %dma_start3A_19 = tpu.memref_slice %arg4[%add3A, %dma_start3A_17, %dma_start3A_18] : memref<32x2x256xf32, #tpu.memory_space<hbm>> -> memref<1x1x256xf32, #tpu.memory_space<hbm>>
    %dma_start3A_20 = tpu.memref_squeeze %dma_start3A_19 : memref<1x1x256xf32, #tpu.memory_space<hbm>> -> memref<1x256xf32, #tpu.memory_space<hbm>>
    tpu.enqueue_dma source(%arg6 : memref<1x256xf32, #tpu.memory_space<vmem>>) target(%dma_start3A_20 : memref<1x256xf32, #tpu.memory_space<hbm>>) target_semaphore(%arg7 : memref<!tpu.dma_semaphore, #tpu.memory_space<semaphore_mem>>)
    %dma_wait3A_21 = arith.constant 0 : i32
    %dma_wait3A_22 = arith.constant 0 : i32
    %dma_wait3A_23 = tpu.memref_slice %arg4[%add3A, %dma_wait3A_21, %dma_wait3A_22] : memref<32x2x256xf32, #tpu.memory_space<hbm>> -> memref<1x1x256xf32, #tpu.memory_space<hbm>>
    %dma_wait3A_24 = tpu.memref_squeeze %dma_wait3A_23 : memref<1x1x256xf32, #tpu.memory_space<hbm>> -> memref<1x256xf32, #tpu.memory_space<hbm>>
    %dma_wait3A_25 = arith.constant 0 : i32
    %dma_wait3A_26 = arith.constant 0 : i32
    %dma_wait3A_27 = tpu.memref_slice %arg4[%add3A, %dma_wait3A_25, %dma_wait3A_26] : memref<32x2x256xf32, #tpu.memory_space<hbm>> -> memref<1x1x256xf32, #tpu.memory_space<hbm>>
    %dma_wait3A_28 = tpu.memref_squeeze %dma_wait3A_27 : memref<1x1x256xf32, #tpu.memory_space<hbm>> -> memref<1x256xf32, #tpu.memory_space<hbm>>
    tpu.wait_dma2 semaphore(%arg7 : memref<!tpu.dma_semaphore, #tpu.memory_space<semaphore_mem>>) src(%arg6 : memref<1x256xf32, #tpu.memory_space<vmem>>) dst(%dma_wait3A_28 : memref<1x256xf32, #tpu.memory_space<hbm>>)
    %dma_wait3A_29 = arith.constant 1 : i32
    %dma_wait3A_30 = arith.constant 0 : i32
    %dma_wait3A_31 = tpu.memref_slice %arg4[%add3A, %dma_wait3A_29, %dma_wait3A_30] : memref<32x2x256xf32, #tpu.memory_space<hbm>> -> memref<1x1x256xf32, #tpu.memory_space<hbm>>
    %dma_wait3A_32 = tpu.memref_squeeze %dma_wait3A_31 : memref<1x1x256xf32, #tpu.memory_space<hbm>> -> memref<1x256xf32, #tpu.memory_space<hbm>>
    %dma_wait3A_33 = arith.constant 1 : i32
    %dma_wait3A_34 = arith.constant 0 : i32
    %dma_wait3A_35 = tpu.memref_slice %arg4[%add3A, %dma_wait3A_33, %dma_wait3A_34] : memref<32x2x256xf32, #tpu.memory_space<hbm>> -> memref<1x1x256xf32, #tpu.memory_space<hbm>>
    %dma_wait3A_36 = tpu.memref_squeeze %dma_wait3A_35 : memref<1x1x256xf32, #tpu.memory_space<hbm>> -> memref<1x256xf32, #tpu.memory_space<hbm>>
    tpu.wait_dma2 semaphore(%arg7 : memref<!tpu.dma_semaphore, #tpu.memory_space<semaphore_mem>>) src(%arg6 : memref<1x256xf32, #tpu.memory_space<vmem>>) dst(%dma_wait3A_36 : memref<1x256xf32, #tpu.memory_space<hbm>>)
    return
  }
}

module attributes {stable_mosaic.version = 14 : i64} {
  func.func @_m_kernel(%arg0: i32, %arg1: memref<256x256xf32, #tpu.memory_space<vmem>>, %arg2: memref<256x256xf32, #tpu.memory_space<vmem>>, %arg3: memref<4x512x576xf32, #tpu.memory_space<vmem>>, %arg4: memref<512x576xf32, #tpu.memory_space<vmem>>) attributes {dimension_semantics = [#tpu.dimension_semantics<arbitrary>], iteration_bounds = array<i64: 8>, scalar_prefetch = 0 : i64, scratch_operands = 1 : i64, tpu.core_type = #tpu.core_type<tc>, window_params = [{pipeline_mode = #tpu.pipeline_mode<synchronous>, transform_indices = @transform_0, window_bounds = array<i64: 256, 256>}, {pipeline_mode = #tpu.pipeline_mode<synchronous>, transform_indices = @transform_1, window_bounds = array<i64: 256, 256>}, {transform_indices = @transform_2, window_bounds = array<i64: 4, 512, 576>}]} {
    %eq3A = arith.constant 0 : i32
    %eq3A_0 = arith.cmpi eq, %arg0, %eq3A : i32
    %convert_element_type3A = arith.extui %eq3A_0 : i1 to i32
    %cond3A = arith.constant 0 : i32
    %cond3A_1 = arith.cmpi ne, %convert_element_type3A, %cond3A : i32
    scf.if %cond3A_1 {
      %iota3A = tpu.iota {dimensions = array<i32: 0>} : vector<256x576xi32>
      %iota3A_9 = tpu.iota {dimensions = array<i32: 1>} : vector<256x576xi32>
      %jit3A = arith.constant 24 : i32
      %eq3A_10 = arith.constant 0 : i32
      %eq3A_11 = arith.cmpi eq, %jit3A, %eq3A_10 : i32
      %jit3A_12 = arith.constant 1 : i32
      %select_n3A = arith.select %eq3A_11, %jit3A_12, %jit3A : i32
      %rem3A = vector.broadcast %select_n3A : i32 to vector<256x576xi32>
      %rem3A_13 = arith.remsi %iota3A_9, %rem3A : vector<256x576xi32>
      %ne3A = arith.constant 0 : i32
      %ne3A_14 = vector.broadcast %ne3A : i32 to vector<256x576xi32>
      %ne3A_15 = arith.cmpi ne, %rem3A_13, %ne3A_14 : vector<256x576xi32>
      %lt3A = arith.constant 0 : i32
      %lt3A_16 = vector.broadcast %lt3A : i32 to vector<256x576xi32>
      %lt3A_17 = arith.cmpi slt, %rem3A_13, %lt3A_16 : vector<256x576xi32>
      %lt3A_18 = arith.constant 0 : i32
      %lt3A_19 = arith.cmpi slt, %select_n3A, %lt3A_18 : i32
      %ne3A_20 = vector.broadcast %lt3A_19 : i1 to vector<256x576xi1>
      %ne3A_21 = vector.broadcast %ne3A_20 : vector<256x576xi1> to vector<256x576xi1>
      %ne3A_22 = arith.xori %lt3A_17, %ne3A_21 : vector<256x576xi1>
      %and3A = arith.andi %ne3A_22, %ne3A_15 : vector<256x576xi1>
      %add3A = vector.broadcast %select_n3A : i32 to vector<256x576xi32>
      %add3A_23 = arith.addi %rem3A_13, %add3A : vector<256x576xi32>
      %select_n3A_24 = arith.select %and3A, %add3A_23, %rem3A_13 : vector<256x576xi1>, vector<256x576xi32>
      %add3A_25 = arith.constant 1 : i32
      %add3A_26 = vector.broadcast %add3A_25 : i32 to vector<256x576xi32>
      %add3A_27 = arith.addi %select_n3A_24, %add3A_26 : vector<256x576xi32>
      %eq3A_28 = arith.cmpi eq, %iota3A, %add3A_27 : vector<256x576xi32>
      %convert_element_type3A_29 = arith.extui %eq3A_28 : vector<256x576xi1> to vector<256x576xi32>
      %convert_element_type3A_30 = arith.sitofp %convert_element_type3A_29 : vector<256x576xi32> to vector<256x576xf32>
      %jit3A_31 = arith.constant 24 : i32
      %div3A = vector.broadcast %jit3A_31 : i32 to vector<256x576xi32>
      %div3A_32 = arith.divsi %iota3A_9, %div3A : vector<256x576xi32>
      %sign3A = arith.constant 0 : i32
      %sign3A_33 = vector.broadcast %sign3A : i32 to vector<256x576xi32>
      %sign3A_34 = arith.cmpi sgt, %iota3A_9, %sign3A_33 : vector<256x576xi32>
      %sign3A_35 = arith.extui %sign3A_34 : vector<256x576xi1> to vector<256x576xi32>
      %sign3A_36 = arith.constant 0 : i32
      %sign3A_37 = vector.broadcast %sign3A_36 : i32 to vector<256x576xi32>
      %sign3A_38 = arith.cmpi slt, %iota3A_9, %sign3A_37 : vector<256x576xi32>
      %sign3A_39 = arith.extui %sign3A_38 : vector<256x576xi1> to vector<256x576xi32>
      %sign3A_40 = arith.subi %sign3A_35, %sign3A_39 : vector<256x576xi32>
      %sign3A_41 = arith.constant 0 : i32
      %sign3A_42 = arith.cmpi sgt, %jit3A_31, %sign3A_41 : i32
      %sign3A_43 = arith.extui %sign3A_42 : i1 to i32
      %sign3A_44 = arith.constant 0 : i32
      %sign3A_45 = arith.cmpi slt, %jit3A_31, %sign3A_44 : i32
      %sign3A_46 = arith.extui %sign3A_45 : i1 to i32
      %sign3A_47 = arith.subi %sign3A_43, %sign3A_46 : i32
      %ne3A_48 = vector.broadcast %sign3A_47 : i32 to vector<256x576xi32>
      %ne3A_49 = arith.cmpi ne, %sign3A_40, %ne3A_48 : vector<256x576xi32>
      %rem3A_50 = vector.broadcast %jit3A_31 : i32 to vector<256x576xi32>
      %rem3A_51 = arith.remsi %iota3A_9, %rem3A_50 : vector<256x576xi32>
      %ne3A_52 = arith.constant 0 : i32
      %ne3A_53 = vector.broadcast %ne3A_52 : i32 to vector<256x576xi32>
      %ne3A_54 = arith.cmpi ne, %rem3A_51, %ne3A_53 : vector<256x576xi32>
      %and3A_55 = arith.andi %ne3A_49, %ne3A_54 : vector<256x576xi1>
      %sub3A = arith.constant 1 : i32
      %sub3A_56 = vector.broadcast %sub3A : i32 to vector<256x576xi32>
      %sub3A_57 = arith.subi %div3A_32, %sub3A_56 : vector<256x576xi32>
      %select_n3A_58 = arith.select %and3A_55, %sub3A_57, %div3A_32 : vector<256x576xi1>, vector<256x576xi32>
      %add3A_59 = arith.constant 1 : i32
      %add3A_60 = vector.broadcast %add3A_59 : i32 to vector<256x576xi32>
      %add3A_61 = arith.addi %select_n3A_58, %add3A_60 : vector<256x576xi32>
      %eq3A_62 = arith.cmpi eq, %iota3A, %add3A_61 : vector<256x576xi32>
      %convert_element_type3A_63 = arith.extui %eq3A_62 : vector<256x576xi1> to vector<256x576xi32>
      %convert_element_type3A_64 = arith.sitofp %convert_element_type3A_63 : vector<256x576xi32> to vector<256x576xf32>
      %get3A_65 = arith.constant 0 : index
      %get3A_66 = arith.constant 0 : index
      %get3A_67 = vector.load %arg2[%get3A_65, %get3A_66] : memref<256x256xf32, #tpu.memory_space<vmem>>, vector<256x256xf32>
      %dot_general3A = arith.constant dense<0.000000e+00> : vector<256x576xf32>
      %dot_general3A_68 = tpu.matmul %get3A_67, %convert_element_type3A_30, %dot_general3A {dimension_numbers = #tpu.dot_dimension_numbers<[0], [0], [1], [1], [0, 1, 1, 1], [], []>, precision = #tpu.contract_precision<fp32>, transpose_lhs_hint = false} : vector<256x256xf32>, vector<256x576xf32>, vector<256x576xf32> -> vector<256x576xf32>
      %swap3A_69 = arith.constant 0 : index
      %swap3A_70 = arith.constant 0 : index
      %swap3A_71 = vector.load %arg4[%swap3A_69, %swap3A_70] : memref<512x576xf32, #tpu.memory_space<vmem>>, vector<256x576xf32>
      tpu.vector_store %arg4[%swap3A_69, %swap3A_70], %dot_general3A_68 {strides = array<i32>} : memref<512x576xf32, #tpu.memory_space<vmem>>, vector<256x576xf32>,
      %get3A_72 = arith.constant 0 : index
      %get3A_73 = arith.constant 0 : index
      %get3A_74 = vector.load %arg1[%get3A_72, %get3A_73] : memref<256x256xf32, #tpu.memory_space<vmem>>, vector<256x256xf32>
      %dot_general3A_75 = arith.constant dense<0.000000e+00> : vector<256x576xf32>
      %dot_general3A_76 = tpu.matmul %get3A_74, %convert_element_type3A_64, %dot_general3A_75 {dimension_numbers = #tpu.dot_dimension_numbers<[0], [0], [1], [1], [0, 1, 1, 1], [], []>, precision = #tpu.contract_precision<fp32>, transpose_lhs_hint = false} : vector<256x256xf32>, vector<256x576xf32>, vector<256x576xf32> -> vector<256x576xf32>
      %swap3A_77 = arith.constant 256 : index
      %swap3A_78 = arith.constant 0 : index
      %swap3A_79 = vector.load %arg4[%swap3A_77, %swap3A_78] : memref<512x576xf32, #tpu.memory_space<vmem>>, vector<256x576xf32>
      tpu.vector_store %arg4[%swap3A_77, %swap3A_78], %dot_general3A_76 {strides = array<i32>} : memref<512x576xf32, #tpu.memory_space<vmem>>, vector<256x576xf32>,
    } else {
    }
    %get3A = arith.constant 0 : index
    %get3A_2 = arith.constant 0 : index
    %get3A_3 = vector.load %arg4[%get3A, %get3A_2] : memref<512x576xf32, #tpu.memory_space<vmem>>, vector<512x576xf32>
    %broadcast_in_dim3A = vector.shape_cast %get3A_3 : vector<512x576xf32> to vector<1x512x576xf32>
    %broadcast_in_dim3A_4 = vector.shape_cast %broadcast_in_dim3A : vector<1x512x576xf32> to vector<1x512x576xf32>
    %broadcast_in_dim3A_5 = vector.broadcast %broadcast_in_dim3A_4 : vector<1x512x576xf32> to vector<4x512x576xf32>
    %swap3A = arith.constant 0 : index
    %swap3A_6 = arith.constant 0 : index
    %swap3A_7 = arith.constant 0 : index
    %swap3A_8 = vector.load %arg3[%swap3A, %swap3A_6, %swap3A_7] : memref<4x512x576xf32, #tpu.memory_space<vmem>>, vector<4x512x576xf32>
    tpu.vector_store %arg3[%swap3A, %swap3A_6, %swap3A_7], %broadcast_in_dim3A_5 {strides = array<i32>} : memref<4x512x576xf32, #tpu.memory_space<vmem>>, vector<4x512x576xf32>,
    return
  }
  func.func @transform_0(%arg0: i32) -> (i32, i32) {
    %c0_i32 = arith.constant 0 : i32
    %c0_i32_0 = arith.constant 0 : i32
    %c0_i32_1 = arith.constant 0 : i32
    return %c0_i32, %c0_i32_0 : i32, i32
  }
  func.func @transform_1(%arg0: i32) -> (i32, i32) {
    %c0_i32 = arith.constant 0 : i32
    %c0_i32_0 = arith.constant 0 : i32
    %c0_i32_1 = arith.constant 0 : i32
    return %c0_i32, %c0_i32_0 : i32, i32
  }
  func.func @transform_2(%arg0: i32) -> (i32, i32, i32) {
    %c0_i32 = arith.constant 0 : i32
    %c0_i32_0 = arith.constant 0 : i32
    %c0_i32_1 = arith.constant 0 : i32
    return %arg0, %c0_i32, %c0_i32_0 : i32, i32, i32
  }
}

</mosaic_0001>

<sc_bundles>
// kernel: kernel.4.cloned.1.call-start
scs
__scs_entry_jumppad:
0x0: {  	(pc) =	sbr.rel $0x88, $3  }
0x1: {  	(tag) =	ssettag $0x0;
	lr =	simm.s32 $0x1  }
0x2: {  	[smem:$0x3F9D] =	sst lr;
	_ =	strace $0xD0000000  }
0x3: {  	_ = 	snop  }
0x4: {  	_ = 	snop  }
0x5: {  	_ = 	snop  }
0x6: {  	_ = 	snop  }
0x7: {  	_ = 	snop  }
__scs_overlays_trampoline_lowered:
0x8: {  	[smem:$0x3FAC] =	sst s0  }
0x9: {  	[smem:$0x3FAD] =	sst s1  }
0xa: {  	[smem:$0x3FAE] =	sst s2  }
0xb: {  	[smem:$0x3FAF] =	sst s3  }
0xc: {  	[smem:$0x3FB0] =	sst s4  }
0xd: {  	[smem:$0x3FB1] =	sst s5  }
0xe: {  	[smem:$0x3FB2] =	sst s6  }
0xf: {  	[smem:$0x3FB3] =	sst s7  }
0x10: {  	[smem:$0x3FB4] =	sst s8  }
0x11: {  	[smem:$0x3FB5] =	sst s9;
	s0 =	simm.s32 @!p0 $0x0  }
0x12: {  	s1 =	sld [smem:$0x3F9B];
	s0 =	simm.s32 @p0 $0x1  }
0x13: {  	[smem:$0x3FB6] =	sst s0;
	s0 =	simm.s32 @!p1 $0x0  }
0x14: {  	s2 =	sld [smem:$0x3F9A];
	s0 =	simm.s32 @p1 $0x1  }
0x15: {  	[smem:$0x3FB7] =	sst s0;
	s0 =	simm.s32 @!p2 $0x0  }
0x16: {  	s3 =	sld [smem:$0x3FDB];
	s0 =	simm.s32 @p2 $0x1  }
0x17: {  	s4 =	simm.s32 $0x1BF5;
	[smem:$0x3FB9] =	sst s0  }
0x18: {  	s0 =	sld [smem:$0x3F9C];
	_ =	swait.ge [sflag:s4], $0x0  }
0x19: {  	s7 =	sld [smem:$0x3F9D]  }
0x1a: {  	s8 =	sadd.s32 $0xFFFFE003, lr  }
0x1b: {  	s9 =	sadd.s32 $0xFFFFFEF7, lr;
	s5 =	simm.s32 $0xFFFFFFFF;
	p2 =	slt.u32 s8, $0xFFFFF086  }
0x1c: {  	p1 =	slt.u32 s9, $0xF7A;
	s5 =	simm.s32 @!p2 $0x0  }
0x1d: {  	s5 =	simm.s32 @p1 $0x1;
	p0 =	seq.s32 s7, s2  }
0x1e: {  	s7 =	smul.u32 @!p0 $0xF7A, s2;
	p2 =	seq.s32 @!p0 s5, $0x0  }
0x1f: {  	s9 =	smul.u32 $0xF7A, s1;
	s8 =	simm.s32 @!p0 $0x1BF5;
	p2 =	por !p2, p0  }
0x20: {  	[sflag:s8] =	ssyncset.s32 @!p0 $0xFFFFF086;
	s6 =	sadd.s32 @!p0 s3, s7;
	s7 =	simm.s32 @!p0 $0x108  }
0x21: {  	s3 =	sadd.s32 s3, s9;
	s6 =	sadd.s32 @!p0 $0x88, s6;
	s7 =	simm.s32 @p2 $0x1082  }
0x22: {  	[simem:s7], [sflag:s8] =	dma.local @!p0 [hbm:s6], $0xF7A  }
0x23: {  	s9 =	sor.u32 $0xD0000000, s2;
	s6 =	simm.s32 $0x108;
	_ =	swait.ge @!p0 [sflag:s8], $0x0  }
0x24: {  	s3 =	sadd.s32 $0x88, s3;
	s6 =	simm.s32 @!p1 $0x1082;
	[sflag:s4] =	ssyncset.s32 $0xFFFFF086  }
0x25: {  	[simem:s6], [sflag:s4] =	dma.local [hbm:s3], $0xF7A  }
0x26: {  	[smem:$0x3F9D] =	sst s1;
	(tag) =	ssettag s2;
	_ =	strace s9  }
0x27: {  	s1 =	sld [smem:$0x3FAD]  }
0x28: {  	s2 =	sld [smem:$0x3FAE]  }
0x29: {  	s4 =	sld [smem:$0x3FB0]  }
0x2a: {  	p0 =	seq.s32 s5, $0x0;
	s5 =	sld [smem:$0x3FB1]  }
0x2b: {  	s6 =	sld [smem:$0x3FB2]  }
0x2c: {  	s7 =	sld [smem:$0x3FB3]  }
0x2d: {  	s3 =	simm.s32 $0x108;
	s8 =	sld [smem:$0x3FB4]  }
0x2e: {  	s3 =	simm.s32 @!p0 $0x1082;
	s9 =	sld [smem:$0x3FB5]  }
0x2f: {  	lr =	sadd.s32 s0, s3;
	s0 =	sld [smem:$0x3FAC]  }
0x30: {  	s3 =	sld [smem:$0x3FAF]  }
0x31: {  	[smem:$0x3FB8] =	sst s10  }
0x32: {  	s10 =	sld [smem:$0x3FB6];
	_ =	sdelay $0x3  }
0x33: {  	p0 =	seq.s32 s10, $0x1;
	s10 =	sld [smem:$0x3FB8];
	_ =	sdelay $0x3  }
0x34: {  	[smem:$0x3FB8] =	sst s10  }
0x35: {  	s10 =	sld [smem:$0x3FB7];
	_ =	sdelay $0x3  }
0x36: {  	p1 =	seq.s32 s10, $0x1;
	s10 =	sld [smem:$0x3FB8];
	_ =	sdelay $0x3  }
0x37: {  	[smem:$0x3FB8] =	sst s10  }
0x38: {  	s10 =	sld [smem:$0x3FB9]  }
0x39: {  	_ = 	snop;
	(pc) =	sbr.ind lr, $3  }
0x3a: {  	_ = 	snop  }
0x3b: {  	_ = 	snop  }
0x3c: {  	p2 =	seq.s32 s10, $0x1;
	s10 =	sld [smem:$0x3FB8]  }
0x3d: {  	_ =	shalt  }
0x3e: {  	_ =	shalt  }
0x3f: {  	_ =	shalt  }
0x40: {  	_ =	shalt  }
0x41: {  	_ =	shalt  }
0x42: {  	_ =	shalt  }
0x43: {  	_ =	shalt  }
0x44: {  	_ =	shalt  }
0x45: {  	_ =	shalt  }
0x46: {  	_ =	shalt  }
0x47: {  	_ =	shalt  }
0x48: {  	_ =	shalt  }
0x49: {  	_ =	shalt  }
0x4a: {  	_ =	shalt  }
0x4b: {  	_ =	shalt  }
0x4c: {  	_ =	shalt  }
0x4d: {  	_ =	shalt  }
0x4e: {  	_ =	shalt  }
0x4f: {  	_ =	shalt  }
0x50: {  	_ =	shalt  }
0x51: {  	_ =	shalt  }
0x52: {  	_ =	shalt  }
0x53: {  	_ =	shalt  }
0x54: {  	_ =	shalt  }
0x55: {  	_ =	shalt  }
0x56: {  	_ =	shalt  }
0x57: {  	_ =	shalt  }
0x58: {  	_ =	shalt  }
0x59: {  	_ =	shalt  }
0x5a: {  	_ =	shalt  }
0x5b: {  	_ =	shalt  }
0x5c: {  	_ =	shalt  }
0x5d: {  	_ =	shalt  }
0x5e: {  	_ =	shalt  }
0x5f: {  	_ =	shalt  }
0x60: {  	_ =	shalt  }
0x61: {  	_ =	shalt  }
0x62: {  	_ =	shalt  }
0x63: {  	_ =	shalt  }
0x64: {  	_ =	shalt  }
0x65: {  	_ =	shalt  }
0x66: {  	_ =	shalt  }
0x67: {  	_ =	shalt  }
0x68: {  	_ =	shalt  }
0x69: {  	_ =	shalt  }
0x6a: {  	_ =	shalt  }
0x6b: {  	_ =	shalt  }
0x6c: {  	_ =	shalt  }
0x6d: {  	_ =	shalt  }
0x6e: {  	_ =	shalt  }
0x6f: {  	_ =	shalt  }
0x70: {  	_ =	shalt  }
0x71: {  	_ =	shalt  }
0x72: {  	_ =	shalt  }
0x73: {  	_ =	shalt  }
0x74: {  	_ =	shalt  }
0x75: {  	_ =	shalt  }
0x76: {  	_ =	shalt  }
0x77: {  	_ =	shalt  }
0x78: {  	_ =	shalt  }
0x79: {  	_ =	shalt  }
0x7a: {  	_ =	shalt  }
0x7b: {  	_ =	shalt  }
0x7c: {  	_ =	shalt  }
0x7d: {  	_ =	shalt  }
0x7e: {  	_ =	shalt  }
0x7f: {  	_ =	shalt  }
0x80: {  	_ =	shalt  }
0x81: {  	_ =	shalt  }
0x82: {  	_ =	shalt  }
0x83: {  	_ =	shalt  }
0x84: {  	_ =	shalt  }
0x85: {  	_ =	shalt  }
0x86: {  	_ =	shalt  }
0x87: {  	_ =	shalt  }
.Lfunc_end0:
.L_simem_size_0:
called_computation_lowered:
.L_overlay_start_0:
0x88: {  	s2 =	sld [smem:$0x3FD9]  }
0x89: {  	s3 =	sld [smem:$0x3FFE];
	_ =	sdelay $0x1  }
0x8a: {  	s1 =	srdreg.scid  }
0x8b: {  	s0 =	sand.u32 $0x1, s1  }
0x8c: {  	s17 =	sshll.u32 s0, $0xA;
	s2 =	sadd.s32 s3, s2  }
0x8d: {  	s2 =	sadd.s32 s2, s17  }
0x8e: {  	[smem:$0x3FC4] =	sst s2  }
0x8f: {  	_ = 	snop  }
0x90: {  	s2 =	sld [smem:$0x3FC7]  }
0x91: {  	s18 =	sld [smem:$0x3FC6];
	(tm) =	ssettm $0x1  }
0x92: {  	s4 =	sld [smem:$0x3FFB];
	_ =	sdelay $0x3  }
0x93: {  	_ =	strace s4  }
0x94: {  	s4 =	sld [smem:$0x3FFC];
	_ =	sdelay $0x3  }
0x95: {  	_ =	strace s4  }
0x96: {  	s4 =	sld [smem:$0x3FFD];
	_ =	sdelay $0x3  }
0x97: {  	_ =	strace s4  }
0x98: {  	_ =	strace $0x8FFFFFFF  }
0x99: {  	s19 =	sld [smem:$0x3FDB];
	_ =	sdelay $0x1  }
0x9a: {  	s5 =	simm.s32 $_scs_section_size  }
0x9b: {  	s6 =	simm.s32 $_size__tile_overlayer_lowered;
	s7 =	simm.s32 $_tile_overlayer_lowered  }
0x9c: {  	s22 =	simm.s32 $0x1BFF;
	s21 =	sshll.u32 s7, $0x1;
	s4 =	sadd.s32 s5, s19  }
0x9d: {  	s8 =	simm.s32 $0x0;
	s20 =	sshll.u32 s6, $0x1;
	s6 =	sadd.s32 s21, s4  }
0x9e: {  	[timem:s8], [sflag:s22] =	dma.local [hbm:s6], s20  }
0x9f: {  	_ =	swait.ge [sflag:s22], s20  }
0xa0: {  	s5 =	ssub.s32 $0x0, s20;
	[sflag:s22] =	ssyncset.done $0x0  }
0xa1: {  	[sflag:s22] =	ssyncadd.s32 s5;
	_ =	sdelay $0x1  }
0xa2: {  	s23 =	simm.s32 $0x1B8B  }
0xa3: {  	_ =	swait.ge [sflag:s23], $0x1  }
0xa4: {  	[sflag:s23] =	ssyncset.done $0x0  }
0xa5: {  	s25 =	simm.s32 $0x1B8E;
	s24 =	sld [smem:$0x3FFE];
	[sflag:s23] =	ssyncadd.s32 $0xFFFFFFFF  }
0xa6: {  	s26 =	simm.s32 $execute0_lowered;
	[smem:$0x3FD2] =	sst s25  }
0xa7: {  	s6 =	sshll.u32 s26, $0x1;
	_ =	strace $0x80000046;
	[dreg:$0x1] =	wrdreg $0xFFFFFFFF  }
0xa8: {  	s28 =	simm.s32 $_size_execute0_lowered;
	s4 =	sadd.s32 s4, s6;
	[dreg:$0x0] =	wrdreg $0x0  }
0xa9: {  	s6 =	sshll.u32 s28, $0x1;
	[dreg:$0x2] =	wrdreg s4  }
0xaa: {  	[dreg:$0x3] =	wrdreg s6  }
0xab: {  	[dreg:$0x4] =	wrdreg $0xC0  }
0xac: {  	_ =	task [dreg:s8], $0x5FFFF  }
0xad: {  	[dreg:$0x1] =	wrdreg $0xFFFFFFFF  }
0xae: {  	[dreg:$0x0] =	wrdreg $0x60  }
0xaf: {  	[dreg:$0x2] =	wrdreg s18  }
0xb0: {  	[dreg:$0x3] =	wrdreg s2  }
0xb1: {  	[dreg:$0x4] =	wrdreg s24  }
0xb2: {  	[dreg:$0x5] =	wrdreg $0x9  }
0xb3: {  	_ =	task.clear_ibuf [dreg:s8], $0x6FFFF;
	_ =	strace $0x90000046  }
0xb4: {  	s29 =	simm.s32 $0x9;
	_ =	strace $0x80000048  }
0xb5: {  	_ =	swait.ge [sflag:s29], $0x1  }
0xb6: {  	[sflag:s29] =	ssyncadd.s32 $0xFFFFFFFF  }
0xb7: {  	_ =	strace $0x90000048  }
0xb8: {  	_ =	sfence  }
0xb9: {  	s30 =	sld [smem:$0x0];
	_ =	sdelay $0x2  }
0xba: {  	s31 =	sshll.u32 s1, $0xD;
	s1 =	sshrl.u32 s1, $0x2  }
0xbb: {  	s3 =	sand.u32 $0x4000, s31;
	s1 =	sadd.s32 s1, s30  }
0xbc: {  	s0 =	sor.u32 s3, s0;
	s1 =	sshll.u32 s1, $0x11  }
0xbd: {  	s0 =	sor.u32 s1, s0  }
0xbe: {  	s0 =	sadd.s32 $0x8F2B, s0  }
0xbf: {  	[sflag:s0] =	ssyncadd.remote.s32 $0x1  }
0xc0: {  	_ =	sfence.sel $0xFFFF  }
0xc1: {  	[dreg:$0x0] =	wrdreg $0xFFFFFFFF;
	(pc) =	sbr.abs _section_cstart, $3  }
0xc2: {  	[dreg:$0x1] =	wrdreg $0xFFFFFFFF  }
0xc3: {  	_ =	task.clear_ibuf [dreg:s8], $0x2FFFF;
	_ =	strace $0x9FFFFFFF  }
0xc4: {  	(tm) =	ssettm $0x7FFFFFFF  }
0xc5: {  	_ =	shalt  }
tec
execute0_lowered:
.L_overlay_start_1:
0x0: {  	(tag) =	ssettag $0x1  }
0x1: {  	s1 =	rddreg [dreg:$0x0]  }
0x2: {  	s2 =	rddreg [dreg:$0x1]  }
0x3: {  	s8 =	rddreg [dreg:$0x2];
	s3 =	simm.s32 $0x0  }
0x4: {  	[smem:$0x7FF] =	sst s3  }
0x5: {  	s0 =	rddreg [dreg:$0x3];
	s4 =	simm.s32 $0x2;
	_ =	strace $0x80000047  }
0x6: {  	[tilespmem:s3], [sflag:$0x2] =	stream.linear.gather [hbm4b:s1+s3], $0x80, $0x38;
	[tilespmem:$0x180] =	vst v63  }
0x7: {  	_ =	swait.ge [sflag:s4], $0x80  }
0x8: {  	[sflag:s4] =	ssyncset.done $0x0  }
0x9: {  	[sflag:s4] =	ssyncadd.s32 $0xFFFFFF80  }
0xa: {  	v0 =	vld.msk [tilespmem:$0x0], $0x1;
	_ =	sdelay $0x4  }
0xb: {  	v1 =	vshll.u32 v0, $0x1  }
0xc: {  	v2 =	vand.u32 $0x7, v0;
	v1 =	vand.u32 $0xFFFFFFF0, v1  }
0xd: {  	v3 =	vlaneseq.u32;
	v0 =	vimm.s32 $0x0;
	v2 =	vor.u32 v2, v1  }
0xe: {  	v1 =	vmul.u32 $0x8, v3;
	v2 =	vperm.xlane v2, v0;
	_ =	sdelay $0x1  }
0xf: {  	s5 =	srdreg.scid;
	v2 =	vadd.s32 v1, v2  }
0x10: {  	s10 =	sand.u32 $0x1, s5;
	s5 =	stileid.u32  }
0x11: {  	s9 =	sshll.u32 s10, $0xA;
	s11 =	sshll.u32 s5, $0x6  }
0x12: {  	s7 =	simm.s32 $0x80;
	s9 =	sor.u32 s11, s9  }
0x13: {  	vm0 =	vmmov $0x3;
	s6 =	simm.s32 $0x1;
	s12 =	ssub.s32 $0x2, s10;
	s11 =	sadd.s32 s9, s8  }
0x14: {  	[tilespmem:s7], [sflag:$0x1] =	stream.indirect_vreg.gather [hbm4b:s2+s3], $0x80, v2, vm0, $0xb8;
	[tilespmem:$0x180] =	vst v63  }
0x15: {  	s31 =	sshrl.u32 s12, $0x1;
	s8 =	sadd.s32 $0x800, s11;
	_ =	swait.ge [sflag:s6], $0x100  }
0x16: {  	s10 =	sadd.s32 $0x810, s11;
	s11 =	ssub.s32 s12, s31;
	[sflag:s6] =	ssyncset.done $0x0  }
0x17: {  	s9 =	simm.s32 $0x100;
	s11 =	smax.u32 s11, $0x1;
	[sflag:s6] =	ssyncadd.s32 $0xFFFFFF00  }
0x18: {  	[hbm4b:s8+s7] =	stream.strided.scatter [tilespmem:s7], [sflag:$0x1], $0x100, s9, s7, $0x38;
	[tilespmem:$0x180] =	vst v63  }
0x19: {  	p0 =	sne.s32 s11, $0x1  }
0x1a: {  	[hbm4b:s10+s7] =	stream.strided.scatter [tilespmem:s7], [sflag:$0x1], $0x100, s9, s7, $0x38;
	[tilespmem:$0x180] =	vst v63  }
.Ltmp0:
0x1b: {  	_ =	swait.ge [sflag:s6], $0x100;
	(pc) =	sbr.rel @!p0 .LBB2_2-.Ltmp0, $4  }
0x1c: {  	[sflag:s6] =	ssyncset.done $0x0  }
0x1d: {  	[sflag:s6] =	ssyncadd.s32 $0xFFFFFF00  }
0x1e: {  	_ =	swait.ge [sflag:s6], $0x100  }
0x1f: {  	s11 =	sadd.s32 $0xFFFFFFFF, s11;
	[sflag:s6] =	ssyncset.done $0x0  }
.LBB2_1:
0x20: {  	p0 =	sne.s32 s11, $0x1;
	s11 =	sadd.s32 $0xFFFFFFFF, s11;
	[sflag:s6] =	ssyncadd.s32 $0xFFFFFF00  }
0x21: {  	[tilespmem:s3], [sflag:$0x2] =	stream.linear.gather [hbm4b:s1+s3], $0x80, $0x38;
	[tilespmem:$0x180] =	vst v63  }
0x22: {  	_ =	swait.ge [sflag:s4], $0x80  }
0x23: {  	[sflag:s4] =	ssyncset.done $0x0  }
0x24: {  	[sflag:s4] =	ssyncadd.s32 $0xFFFFFF80  }
0x25: {  	v2 =	vld.msk [tilespmem:$0x0], $0x1;
	_ =	sdelay $0x4  }
0x26: {  	v3 =	vshll.u32 v2, $0x1  }
0x27: {  	v2 =	vand.u32 $0x7, v2;
	v3 =	vand.u32 $0xFFFFFFF0, v3  }
0x28: {  	v2 =	vor.u32 v2, v3  }
0x29: {  	v2 =	vperm.xlane v2, v0;
	_ =	sdelay $0x1  }
0x2a: {  	v2 =	vadd.s32 v1, v2;
	_ =	sdelay $0x4  }
0x2b: {  	[tilespmem:s7], [sflag:$0x1] =	stream.indirect_vreg.gather [hbm4b:s2+s3], $0x80, v2, vm0, $0xb8;
	[tilespmem:$0x180] =	vst v63  }
0x2c: {  	_ =	swait.ge [sflag:s6], $0x100  }
0x2d: {  	[sflag:s6] =	ssyncset.done $0x0  }
0x2e: {  	[sflag:s6] =	ssyncadd.s32 $0xFFFFFF00  }
0x2f: {  	[hbm4b:s8+s7] =	stream.strided.scatter [tilespmem:s7], [sflag:$0x1], $0x100, s9, s7, $0x38;
	[tilespmem:$0x180] =	vst v63  }
0x30: {  	_ = 	snop  }
0x31: {  	[hbm4b:s10+s7] =	stream.strided.scatter [tilespmem:s7], [sflag:$0x1], $0x100, s9, s7, $0x38;
	[tilespmem:$0x180] =	vst v63  }
.Ltmp1:
0x32: {  	_ =	swait.ge [sflag:s6], $0x100;
	(pc) =	sbr.rel @p0 .LBB2_1-.Ltmp1, $4  }
0x33: {  	[sflag:s6] =	ssyncset.done $0x0  }
0x34: {  	[sflag:s6] =	ssyncadd.s32 $0xFFFFFF00  }
0x35: {  	_ =	swait.ge [sflag:s6], $0x100  }
0x36: {  	[sflag:s6] =	ssyncset.done $0x0  }
.LBB2_2:
0x37: {  	[sflag:s6] =	ssyncadd.s32 $0xFFFFFF00  }
0x38: {  	_ =	sfence.sel $0x180000  }
0x39: {  	[bflag:$0x0] =	sbarrier.arrive $0xFFFF  }
0x3a: {  	p0 =	sne.s32 s5, $0x0;
	_ =	strace $0x90000047  }
0x3b: {  	s0 =	sadd.s32 @!p0 $0x100000, s0;
	[bflag:$0x2] =	sbarrier.arrive $0xFFFF  }
0x3c: {  	[sflag:s0] =	ssyncadd.tile.s32 @!p0 $0x1;
	_ =	shalt  }
.Lfunc_end2:
_tile_overlayer_lowered:
.L_overlay_start_2:
0x3d: {  	(tag) =	ssettag $0x2  }
0x3e: {  	s0 =	rddreg [dreg:$0x0];
	s2 =	stileid.u32  }
0x3f: {  	s1 =	rddreg [dreg:$0x1];
	p0 =	sne.s32 s2, $0x0  }
0x40: {  	s3 =	rddreg [dreg:$0x2];
	[bflag:$0x3] =	sbarrier.arrive $0xFFFF;
	s2 =	simm.s32 @!p0 $0x1C02  }
0x41: {  	[timem:s3], [sflag:s2] =	dma.local @!p0 [hbm:s0], s1  }
0x42: {  	s0 =	simm.s32 @!p0 $0x2  }
0x43: {  	_ =	swait.ge @!p0 [sflag:s0], s1  }
0x44: {  	s1 =	ssub.s32 @!p0 $0x0, s1;
	[sflag:s0] =	ssyncset.done @!p0 $0x0  }
0x45: {  	[sflag:s0] =	ssyncadd.s32 @!p0 s1  }
0x46: {  	[bflag:$0x3] =	sbarrier.arrive $0xFFFF  }
0x47: {  	_ =	shalt  }

</sc_bundles>
